<compile_context>
chip_gen: v7x
topology: tpu7x:2x2x1
jax: 0.10.2.dev20260603
libtpu: 0.0.44.dev20260713+nightly
codegen_flags: <defaults>
</compile_context>

<pallas_src>
import functools

import jax
import jax.numpy as jnp
from jax import lax
from jax.experimental import pallas as pl
from jax.experimental.pallas import tpu as pltpu
from jax.experimental.pallas import tpu_sc as plsc

EPS = 1e-5


@functools.partial(jax.jit, static_argnums=(2, 3, 4))
def _sc_gather(wte, x2d, d, t_off, tsub):
    NC, NS = 2, 16
    NW = NC * NS
    nbatch = x2d.shape[0]
    ntok = nbatch * tsub
    b_per_w = ntok // NW
    NBUF = 4
    CH = b_per_w // NBUF
    nchunk = NBUF

    mesh = plsc.VectorSubcoreMesh(core_axis_name="c", subcore_axis_name="s")

    @functools.partial(
        pl.kernel,
        mesh=mesh,
        out_type=jax.ShapeDtypeStruct((ntok, d), jnp.float32),
        scratch_types=(
            [pltpu.VMEM((b_per_w,), jnp.int32)]
            + [pltpu.VMEM((CH, d), jnp.float32) for _ in range(NBUF)]
            + [pltpu.SemaphoreType.DMA for _ in range(2 * NBUF)]
        ),
    )
    def gather_kernel(table_hbm, idx_hbm, out_hbm, idx_v, *bufs):
        rows = bufs[:NBUF]
        gsems = bufs[NBUF:2 * NBUF]
        wsems = bufs[2 * NBUF:]
        wid = lax.axis_index("s") * NC + lax.axis_index("c")
        base = wid * b_per_w
        brow = base // tsub
        col = base % tsub + t_off
        pltpu.sync_copy(idx_hbm.at[brow, pl.ds(col, b_per_w)], idx_v)

        gcopies = [
            pltpu.async_copy(
                table_hbm.at[idx_v.at[pl.ds(c * CH, CH)]], rows[c], gsems[c])
            for c in range(nchunk)
        ]
        wcopies = []
        for c in range(nchunk):
            gcopies[c].wait()
            wcopies.append(pltpu.async_copy(
                rows[c], out_hbm.at[pl.ds(base + c * CH, CH)], wsems[c]))
        for w in wcopies:
            w.wait()

    return gather_kernel(wte, x2d)


def _tc_body(tok_ref, wpe_ref, gamma_ref, beta_ref, w_ref, b_ref, *rest):
    out_ref = rest[-1]
    y = tok_ref[...] + wpe_ref[...]
    mu = jnp.mean(y, axis=1, keepdims=True)
    m2 = jnp.mean(y * y, axis=1, keepdims=True)
    rs = lax.rsqrt(m2 - mu * mu + EPS)
    z = (y - mu) * (rs * gamma_ref[...]) + beta_ref[...]
    out_ref[...] = (
        lax.dot_general(z, w_ref[...], (((1,), (1,)), ((), ())),
                        preferred_element_type=jnp.float32)
        + b_ref[...]
    )


def _tc_chunk_call(prev, tokens_c, wpe, gamma, beta, W, b, phase, nphase,
                   tsub, ntok_total):
    ntok_c, d = tokens_c.shape
    BLK = tsub
    nblk = ntok_c // BLK
    has_prev = prev is not None

    in_specs = [
        pl.BlockSpec((BLK, d), lambda i: (i, 0)),
        pl.BlockSpec((tsub, d), lambda i, p=phase: (p, 0)),
        pl.BlockSpec((d,), lambda i: (0,)),
        pl.BlockSpec((d,), lambda i: (0,)),
        pl.BlockSpec((d, d), lambda i: (0, 0)),
        pl.BlockSpec((d,), lambda i: (0,)),
    ]
    args = [tokens_c, wpe, gamma, beta, W, b]
    aliases = {}
    if has_prev:
        in_specs.append(pl.BlockSpec(memory_space=pltpu.MemorySpace.HBM))
        args.append(prev)
        aliases = {6: 0}

    return pl.pallas_call(
        _tc_body,
        grid=(nblk,),
        in_specs=in_specs,
        out_specs=pl.BlockSpec(
            (BLK, d), lambda i, p=phase, np_=nphase: (np_ * i + p, 0)),
        out_shape=jax.ShapeDtypeStruct((ntok_total, d), jnp.float32),
        input_output_aliases=aliases,
    )(*args)


def kernel(x, wte, wpe, gamma, beta, W, b):
    B, T = x.shape
    V, D = wte.shape
    ntok = B * T
    x = x.astype(jnp.int32)
    NPH = 2
    tsub = T // NPH
    toks = [_sc_gather(wte, x, D, p * tsub, tsub) for p in range(NPH)]
    out = None
    for p in range(NPH):
        out = _tc_chunk_call(out, toks[p], wpe, gamma, beta, W, b,
                             p, NPH, tsub, ntok)
    return out.reshape(B, T, D)

# --- scband reference (transcript-rebuilt; emitter-appended) ---
"""Pipeline reference for scband-praxis-uniform-embedding-7619271983671 (READ-ONLY COPY).

The authoritative reference and input builder live on the scoring server;
editing this copy changes nothing except your own understanding.
"""

import jax, jax.numpy as jnp
import numpy as np

VOCAB = 100000
D = 768
CTX = 2048
B, T = 4, 2048
EPS = 1e-5

def setup_inputs(seed: int = 0) -> dict:
    key = jax.random.key(seed)
    k1, k2, k3, k4, k5 = jax.random.split(key, 5)
    x = jax.random.randint(k1, (B, T), 0, VOCAB, dtype=jnp.int64 if jax.config.read('jax_enable_x64') else jnp.int32)
    wte = jax.random.normal(k2, (VOCAB, D), dtype=jnp.float32) * 0.02
    wpe = jax.random.normal(k3, (CTX, D), dtype=jnp.float32) * 0.02
    gamma = jnp.ones((D,), dtype=jnp.float32)
    beta = jnp.zeros((D,), dtype=jnp.float32)
    W = jax.random.normal(k4, (D, D), dtype=jnp.float32) * (1.0 / np.sqrt(D))
    b = jnp.zeros((D,), dtype=jnp.float32)
    return {"x": x, "wte": wte, "wpe": wpe, "gamma": gamma, "beta": beta, "W": W, "b": b}

def _layernorm(y, gamma, beta):
    mu = jnp.mean(y, axis=-1, keepdims=True)
    var = jnp.mean((y - mu) ** 2, axis=-1, keepdims=True)
    yhat = (y - mu) / jnp.sqrt(var + EPS)
    return yhat * gamma + beta

def reference(x, wte, wpe, gamma, beta, W, b):
    Bx, Tx = x.shape
    tokens = jnp.take(wte, x, axis=0)                 # [B, T, D] gather
    position = jnp.take(wpe, jnp.arange(Tx), axis=0)  # [T, D]
    y = tokens + position[None, :, :]
    y = _layernorm(y, gamma, beta)
    y = jnp.einsum('btd,ed->bte', y, W) + b
    return y

if __name__ == "__main__":
    import jax
    _d = setup_inputs()
    print(jax.jit(kernel)(*tuple(_d.values())))

</pallas_src>

<mosaic_0001>
#map = affine_map<(d0, d1) -> (0, 0)>
module attributes {stable_mosaic.version = 14 : i64} {
  func.func @gather_kernel(%arg0: i32, %arg1: i32, %arg2: memref<100000x768xf32, #tpu.memory_space<hbm>>, %arg3: memref<4x2048xi32, #tpu.memory_space<hbm>>, %arg4: memref<4096x768xf32, #tpu.memory_space<hbm>>, %arg5: memref<128xi32, #tpu.memory_space<vmem>>, %arg6: memref<32x768xf32, #tpu.memory_space<vmem>>, %arg7: memref<32x768xf32, #tpu.memory_space<vmem>>, %arg8: memref<32x768xf32, #tpu.memory_space<vmem>>, %arg9: memref<32x768xf32, #tpu.memory_space<vmem>>, %arg10: memref<!tpu.dma_semaphore, #tpu.memory_space<semaphore_mem>>, %arg11: memref<!tpu.dma_semaphore, #tpu.memory_space<semaphore_mem>>, %arg12: memref<!tpu.dma_semaphore, #tpu.memory_space<semaphore_mem>>, %arg13: memref<!tpu.dma_semaphore, #tpu.memory_space<semaphore_mem>>, %arg14: memref<!tpu.dma_semaphore, #tpu.memory_space<semaphore_mem>>, %arg15: memref<!tpu.dma_semaphore, #tpu.memory_space<semaphore_mem>>, %arg16: memref<!tpu.dma_semaphore, #tpu.memory_space<semaphore_mem>>, %arg17: memref<!tpu.dma_semaphore, #tpu.memory_space<semaphore_mem>>) attributes {dimension_semantics = [#tpu.dimension_semantics<core_parallel>, #tpu.dimension_semantics<subcore_parallel>], iteration_bounds = array<i64: 2, 16>, scalar_prefetch = 0 : i64, scratch_operands = 13 : i64, tpu.core_type = #tpu.core_type<sc_vector_subcore>, window_params = [{transform_indices = #map}, {transform_indices = #map}, {transform_indices = #map}]} {
    %mul3A = arith.constant 2 : i32
    %mul3A_0 = arith.muli %arg1, %mul3A : i32
    %add3A = arith.addi %mul3A_0, %arg0 : i32
    %mul3A_1 = arith.constant 128 : i32
    %mul3A_2 = arith.muli %add3A, %mul3A_1 : i32
    %jit3A = arith.constant 1024 : i32
    %div3A = arith.divsi %mul3A_2, %jit3A : i32
    %sign3A = arith.constant 0 : i32
    %sign3A_3 = arith.cmpi sgt, %mul3A_2, %sign3A : i32
    %sign3A_4 = arith.extui %sign3A_3 : i1 to i32
    %sign3A_5 = arith.constant 0 : i32
    %sign3A_6 = arith.cmpi slt, %mul3A_2, %sign3A_5 : i32
    %sign3A_7 = arith.extui %sign3A_6 : i1 to i32
    %sign3A_8 = arith.subi %sign3A_4, %sign3A_7 : i32
    %sign3A_9 = arith.constant 0 : i32
    %sign3A_10 = arith.cmpi sgt, %jit3A, %sign3A_9 : i32
    %sign3A_11 = arith.extui %sign3A_10 : i1 to i32
    %sign3A_12 = arith.constant 0 : i32
    %sign3A_13 = arith.cmpi slt, %jit3A, %sign3A_12 : i32
    %sign3A_14 = arith.extui %sign3A_13 : i1 to i32
    %sign3A_15 = arith.subi %sign3A_11, %sign3A_14 : i32
    %ne3A = arith.cmpi ne, %sign3A_8, %sign3A_15 : i32
    %rem3A = arith.remsi %mul3A_2, %jit3A : i32
    %ne3A_16 = arith.constant 0 : i32
    %ne3A_17 = arith.cmpi ne, %rem3A, %ne3A_16 : i32
    %and3A = arith.andi %ne3A, %ne3A_17 : i1
    %sub3A = arith.constant 1 : i32
    %sub3A_18 = arith.subi %div3A, %sub3A : i32
    %select_n3A = arith.select %and3A, %sub3A_18, %div3A : i32
    %jit3A_19 = arith.constant 1024 : i32
    %eq3A = arith.constant 0 : i32
    %eq3A_20 = arith.cmpi eq, %jit3A_19, %eq3A : i32
    %jit3A_21 = arith.constant 1 : i32
    %select_n3A_22 = arith.select %eq3A_20, %jit3A_21, %jit3A_19 : i32
    %rem3A_23 = arith.remsi %mul3A_2, %select_n3A_22 : i32
    %ne3A_24 = arith.constant 0 : i32
    %ne3A_25 = arith.cmpi ne, %rem3A_23, %ne3A_24 : i32
    %lt3A = arith.constant 0 : i32
    %lt3A_26 = arith.cmpi slt, %rem3A_23, %lt3A : i32
    %lt3A_27 = arith.constant 0 : i32
    %lt3A_28 = arith.cmpi slt, %select_n3A_22, %lt3A_27 : i32
    %ne3A_29 = arith.xori %lt3A_26, %lt3A_28 : i1
    %and3A_30 = arith.andi %ne3A_29, %ne3A_25 : i1
    %add3A_31 = arith.addi %rem3A_23, %select_n3A_22 : i32
    %select_n3A_32 = arith.select %and3A_30, %add3A_31, %rem3A_23 : i32
    %add3A_33 = arith.constant 0 : i32
    %add3A_34 = arith.addi %select_n3A_32, %add3A_33 : i32
    "tpu.region"() ({
      %run_scoped3A = tpu.sem_alloc : memref<!tpu.dma_semaphore, #tpu.memory_space<semaphore_mem>>
      %dma_start3A_113 = tpu.memref_slice %arg3[%select_n3A, %add3A_34] : memref<4x2048xi32, #tpu.memory_space<hbm>> -> memref<1x128xi32, #tpu.memory_space<hbm>>
      %dma_start3A_114 = tpu.memref_squeeze %dma_start3A_113 : memref<1x128xi32, #tpu.memory_space<hbm>> -> memref<128xi32, #tpu.memory_space<hbm>>
      %dma_start3A_115 = tpu.memref_slice %arg3[%select_n3A, %add3A_34] : memref<4x2048xi32, #tpu.memory_space<hbm>> -> memref<1x128xi32, #tpu.memory_space<hbm>>
      %dma_start3A_116 = tpu.memref_squeeze %dma_start3A_115 : memref<1x128xi32, #tpu.memory_space<hbm>> -> memref<128xi32, #tpu.memory_space<hbm>>
      tpu.enqueue_dma source(%dma_start3A_116 : memref<128xi32, #tpu.memory_space<hbm>>) target(%arg5 : memref<128xi32, #tpu.memory_space<vmem>>) target_semaphore(%run_scoped3A : memref<!tpu.dma_semaphore, #tpu.memory_space<semaphore_mem>>)
      %dma_wait3A_117 = tpu.memref_slice %arg3[%select_n3A, %add3A_34] : memref<4x2048xi32, #tpu.memory_space<hbm>> -> memref<1x128xi32, #tpu.memory_space<hbm>>
      %dma_wait3A_118 = tpu.memref_squeeze %dma_wait3A_117 : memref<1x128xi32, #tpu.memory_space<hbm>> -> memref<128xi32, #tpu.memory_space<hbm>>
      %dma_wait3A_119 = tpu.memref_slice %arg3[%select_n3A, %add3A_34] : memref<4x2048xi32, #tpu.memory_space<hbm>> -> memref<1x128xi32, #tpu.memory_space<hbm>>
      %dma_wait3A_120 = tpu.memref_squeeze %dma_wait3A_119 : memref<1x128xi32, #tpu.memory_space<hbm>> -> memref<128xi32, #tpu.memory_space<hbm>>
      tpu.wait_dma2 semaphore(%run_scoped3A : memref<!tpu.dma_semaphore, #tpu.memory_space<semaphore_mem>>) src(%dma_wait3A_120 : memref<128xi32, #tpu.memory_space<hbm>>) dst(%arg5 : memref<128xi32, #tpu.memory_space<vmem>>)
      tpu.yield
    }) : () -> ()
    %dma_start3A = arith.constant 0 : i32
    %dma_start3A_35 = tpu.memref_slice %arg5[%dma_start3A] : memref<128xi32, #tpu.memory_space<vmem>> -> memref<32xi32, #tpu.memory_space<vmem>>
    %dma_start3A_36 = arith.constant 0 : i32
    %dma_start3A_37 = arith.constant 0 : i32
    %dma_start3A_38 = tpu.memref_slice %arg2[%dma_start3A_36, %dma_start3A_37] : memref<100000x768xf32, #tpu.memory_space<hbm>> -> memref<100000x768xf32, #tpu.memory_space<hbm>>
    tpu.enqueue_indirect_dma source(%dma_start3A_38 : memref<100000x768xf32, #tpu.memory_space<hbm>>) target(%arg6 : memref<32x768xf32, #tpu.memory_space<vmem>>) offsets(%dma_start3A_35 : memref<32xi32, #tpu.memory_space<vmem>>) semaphore(%arg10 : memref<!tpu.dma_semaphore, #tpu.memory_space<semaphore_mem>>)
    %dma_start3A_39 = arith.constant 32 : i32
    %dma_start3A_40 = tpu.memref_slice %arg5[%dma_start3A_39] : memref<128xi32, #tpu.memory_space<vmem>> -> memref<32xi32, #tpu.memory_space<vmem>>
    %dma_start3A_41 = arith.constant 0 : i32
    %dma_start3A_42 = arith.constant 0 : i32
    %dma_start3A_43 = tpu.memref_slice %arg2[%dma_start3A_41, %dma_start3A_42] : memref<100000x768xf32, #tpu.memory_space<hbm>> -> memref<100000x768xf32, #tpu.memory_space<hbm>>
    tpu.enqueue_indirect_dma source(%dma_start3A_43 : memref<100000x768xf32, #tpu.memory_space<hbm>>) target(%arg7 : memref<32x768xf32, #tpu.memory_space<vmem>>) offsets(%dma_start3A_40 : memref<32xi32, #tpu.memory_space<vmem>>) semaphore(%arg11 : memref<!tpu.dma_semaphore, #tpu.memory_space<semaphore_mem>>)
    %dma_start3A_44 = arith.constant 64 : i32
    %dma_start3A_45 = tpu.memref_slice %arg5[%dma_start3A_44] : memref<128xi32, #tpu.memory_space<vmem>> -> memref<32xi32, #tpu.memory_space<vmem>>
    %dma_start3A_46 = arith.constant 0 : i32
    %dma_start3A_47 = arith.constant 0 : i32
    %dma_start3A_48 = tpu.memref_slice %arg2[%dma_start3A_46, %dma_start3A_47] : memref<100000x768xf32, #tpu.memory_space<hbm>> -> memref<100000x768xf32, #tpu.memory_space<hbm>>
    tpu.enqueue_indirect_dma source(%dma_start3A_48 : memref<100000x768xf32, #tpu.memory_space<hbm>>) target(%arg8 : memref<32x768xf32, #tpu.memory_space<vmem>>) offsets(%dma_start3A_45 : memref<32xi32, #tpu.memory_space<vmem>>) semaphore(%arg12 : memref<!tpu.dma_semaphore, #tpu.memory_space<semaphore_mem>>)
    %dma_start3A_49 = arith.constant 96 : i32
    %dma_start3A_50 = tpu.memref_slice %arg5[%dma_start3A_49] : memref<128xi32, #tpu.memory_space<vmem>> -> memref<32xi32, #tpu.memory_space<vmem>>
    %dma_start3A_51 = arith.constant 0 : i32
    %dma_start3A_52 = arith.constant 0 : i32
    %dma_start3A_53 = tpu.memref_slice %arg2[%dma_start3A_51, %dma_start3A_52] : memref<100000x768xf32, #tpu.memory_space<hbm>> -> memref<100000x768xf32, #tpu.memory_space<hbm>>
    tpu.enqueue_indirect_dma source(%dma_start3A_53 : memref<100000x768xf32, #tpu.memory_space<hbm>>) target(%arg9 : memref<32x768xf32, #tpu.memory_space<vmem>>) offsets(%dma_start3A_50 : memref<32xi32, #tpu.memory_space<vmem>>) semaphore(%arg13 : memref<!tpu.dma_semaphore, #tpu.memory_space<semaphore_mem>>)
    %dma_wait3A = arith.constant 0 : i32
    %dma_wait3A_54 = tpu.memref_slice %arg5[%dma_wait3A] : memref<128xi32, #tpu.memory_space<vmem>> -> memref<32xi32, #tpu.memory_space<vmem>>
    %dma_wait3A_55 = arith.constant 0 : i32
    %dma_wait3A_56 = arith.constant 0 : i32
    %dma_wait3A_57 = tpu.memref_slice %arg2[%dma_wait3A_55, %dma_wait3A_56] : memref<100000x768xf32, #tpu.memory_space<hbm>> -> memref<100000x768xf32, #tpu.memory_space<hbm>>
    tpu.wait_indirect_dma semaphore(%arg10 : memref<!tpu.dma_semaphore, #tpu.memory_space<semaphore_mem>>) src(%dma_wait3A_57 : memref<100000x768xf32, #tpu.memory_space<hbm>>) dst(%arg6 : memref<32x768xf32, #tpu.memory_space<vmem>>)
    %add3A_58 = arith.constant 0 : i32
    %add3A_59 = arith.addi %mul3A_2, %add3A_58 : i32
    %dma_start3A_60 = arith.constant 0 : i32
    %dma_start3A_61 = tpu.memref_slice %arg4[%add3A_59, %dma_start3A_60] : memref<4096x768xf32, #tpu.memory_space<hbm>> -> memref<32x768xf32, #tpu.memory_space<hbm>>
    %dma_start3A_62 = arith.constant 0 : i32
    %dma_start3A_63 = tpu.memref_slice %arg4[%add3A_59, %dma_start3A_62] : memref<4096x768xf32, #tpu.memory_space<hbm>> -> memref<32x768xf32, #tpu.memory_space<hbm>>
    tpu.enqueue_dma source(%arg6 : memref<32x768xf32, #tpu.memory_space<vmem>>) target(%dma_start3A_63 : memref<32x768xf32, #tpu.memory_space<hbm>>) target_semaphore(%arg14 : memref<!tpu.dma_semaphore, #tpu.memory_space<semaphore_mem>>)
    %dma_wait3A_64 = arith.constant 32 : i32
    %dma_wait3A_65 = tpu.memref_slice %arg5[%dma_wait3A_64] : memref<128xi32, #tpu.memory_space<vmem>> -> memref<32xi32, #tpu.memory_space<vmem>>
    %dma_wait3A_66 = arith.constant 0 : i32
    %dma_wait3A_67 = arith.constant 0 : i32
    %dma_wait3A_68 = tpu.memref_slice %arg2[%dma_wait3A_66, %dma_wait3A_67] : memref<100000x768xf32, #tpu.memory_space<hbm>> -> memref<100000x768xf32, #tpu.memory_space<hbm>>
    tpu.wait_indirect_dma semaphore(%arg11 : memref<!tpu.dma_semaphore, #tpu.memory_space<semaphore_mem>>) src(%dma_wait3A_68 : memref<100000x768xf32, #tpu.memory_space<hbm>>) dst(%arg7 : memref<32x768xf32, #tpu.memory_space<vmem>>)
    %add3A_69 = arith.constant 32 : i32
    %add3A_70 = arith.addi %mul3A_2, %add3A_69 : i32
    %dma_start3A_71 = arith.constant 0 : i32
    %dma_start3A_72 = tpu.memref_slice %arg4[%add3A_70, %dma_start3A_71] : memref<4096x768xf32, #tpu.memory_space<hbm>> -> memref<32x768xf32, #tpu.memory_space<hbm>>
    %dma_start3A_73 = arith.constant 0 : i32
    %dma_start3A_74 = tpu.memref_slice %arg4[%add3A_70, %dma_start3A_73] : memref<4096x768xf32, #tpu.memory_space<hbm>> -> memref<32x768xf32, #tpu.memory_space<hbm>>
    tpu.enqueue_dma source(%arg7 : memref<32x768xf32, #tpu.memory_space<vmem>>) target(%dma_start3A_74 : memref<32x768xf32, #tpu.memory_space<hbm>>) target_semaphore(%arg15 : memref<!tpu.dma_semaphore, #tpu.memory_space<semaphore_mem>>)
    %dma_wait3A_75 = arith.constant 64 : i32
    %dma_wait3A_76 = tpu.memref_slice %arg5[%dma_wait3A_75] : memref<128xi32, #tpu.memory_space<vmem>> -> memref<32xi32, #tpu.memory_space<vmem>>
    %dma_wait3A_77 = arith.constant 0 : i32
    %dma_wait3A_78 = arith.constant 0 : i32
    %dma_wait3A_79 = tpu.memref_slice %arg2[%dma_wait3A_77, %dma_wait3A_78] : memref<100000x768xf32, #tpu.memory_space<hbm>> -> memref<100000x768xf32, #tpu.memory_space<hbm>>
    tpu.wait_indirect_dma semaphore(%arg12 : memref<!tpu.dma_semaphore, #tpu.memory_space<semaphore_mem>>) src(%dma_wait3A_79 : memref<100000x768xf32, #tpu.memory_space<hbm>>) dst(%arg8 : memref<32x768xf32, #tpu.memory_space<vmem>>)
    %add3A_80 = arith.constant 64 : i32
    %add3A_81 = arith.addi %mul3A_2, %add3A_80 : i32
    %dma_start3A_82 = arith.constant 0 : i32
    %dma_start3A_83 = tpu.memref_slice %arg4[%add3A_81, %dma_start3A_82] : memref<4096x768xf32, #tpu.memory_space<hbm>> -> memref<32x768xf32, #tpu.memory_space<hbm>>
    %dma_start3A_84 = arith.constant 0 : i32
    %dma_start3A_85 = tpu.memref_slice %arg4[%add3A_81, %dma_start3A_84] : memref<4096x768xf32, #tpu.memory_space<hbm>> -> memref<32x768xf32, #tpu.memory_space<hbm>>
    tpu.enqueue_dma source(%arg8 : memref<32x768xf32, #tpu.memory_space<vmem>>) target(%dma_start3A_85 : memref<32x768xf32, #tpu.memory_space<hbm>>) target_semaphore(%arg16 : memref<!tpu.dma_semaphore, #tpu.memory_space<semaphore_mem>>)
    %dma_wait3A_86 = arith.constant 96 : i32
    %dma_wait3A_87 = tpu.memref_slice %arg5[%dma_wait3A_86] : memref<128xi32, #tpu.memory_space<vmem>> -> memref<32xi32, #tpu.memory_space<vmem>>
    %dma_wait3A_88 = arith.constant 0 : i32
    %dma_wait3A_89 = arith.constant 0 : i32
    %dma_wait3A_90 = tpu.memref_slice %arg2[%dma_wait3A_88, %dma_wait3A_89] : memref<100000x768xf32, #tpu.memory_space<hbm>> -> memref<100000x768xf32, #tpu.memory_space<hbm>>
    tpu.wait_indirect_dma semaphore(%arg13 : memref<!tpu.dma_semaphore, #tpu.memory_space<semaphore_mem>>) src(%dma_wait3A_90 : memref<100000x768xf32, #tpu.memory_space<hbm>>) dst(%arg9 : memref<32x768xf32, #tpu.memory_space<vmem>>)
    %add3A_91 = arith.constant 96 : i32
    %add3A_92 = arith.addi %mul3A_2, %add3A_91 : i32
    %dma_start3A_93 = arith.constant 0 : i32
    %dma_start3A_94 = tpu.memref_slice %arg4[%add3A_92, %dma_start3A_93] : memref<4096x768xf32, #tpu.memory_space<hbm>> -> memref<32x768xf32, #tpu.memory_space<hbm>>
    %dma_start3A_95 = arith.constant 0 : i32
    %dma_start3A_96 = tpu.memref_slice %arg4[%add3A_92, %dma_start3A_95] : memref<4096x768xf32, #tpu.memory_space<hbm>> -> memref<32x768xf32, #tpu.memory_space<hbm>>
    tpu.enqueue_dma source(%arg9 : memref<32x768xf32, #tpu.memory_space<vmem>>) target(%dma_start3A_96 : memref<32x768xf32, #tpu.memory_space<hbm>>) target_semaphore(%arg17 : memref<!tpu.dma_semaphore, #tpu.memory_space<semaphore_mem>>)
    %dma_wait3A_97 = arith.constant 0 : i32
    %dma_wait3A_98 = tpu.memref_slice %arg4[%add3A_59, %dma_wait3A_97] : memref<4096x768xf32, #tpu.memory_space<hbm>> -> memref<32x768xf32, #tpu.memory_space<hbm>>
    %dma_wait3A_99 = arith.constant 0 : i32
    %dma_wait3A_100 = tpu.memref_slice %arg4[%add3A_59, %dma_wait3A_99] : memref<4096x768xf32, #tpu.memory_space<hbm>> -> memref<32x768xf32, #tpu.memory_space<hbm>>
    tpu.wait_dma2 semaphore(%arg14 : memref<!tpu.dma_semaphore, #tpu.memory_space<semaphore_mem>>) src(%arg6 : memref<32x768xf32, #tpu.memory_space<vmem>>) dst(%dma_wait3A_100 : memref<32x768xf32, #tpu.memory_space<hbm>>)
    %dma_wait3A_101 = arith.constant 0 : i32
    %dma_wait3A_102 = tpu.memref_slice %arg4[%add3A_70, %dma_wait3A_101] : memref<4096x768xf32, #tpu.memory_space<hbm>> -> memref<32x768xf32, #tpu.memory_space<hbm>>
    %dma_wait3A_103 = arith.constant 0 : i32
    %dma_wait3A_104 = tpu.memref_slice %arg4[%add3A_70, %dma_wait3A_103] : memref<4096x768xf32, #tpu.memory_space<hbm>> -> memref<32x768xf32, #tpu.memory_space<hbm>>
    tpu.wait_dma2 semaphore(%arg15 : memref<!tpu.dma_semaphore, #tpu.memory_space<semaphore_mem>>) src(%arg7 : memref<32x768xf32, #tpu.memory_space<vmem>>) dst(%dma_wait3A_104 : memref<32x768xf32, #tpu.memory_space<hbm>>)
    %dma_wait3A_105 = arith.constant 0 : i32
    %dma_wait3A_106 = tpu.memref_slice %arg4[%add3A_81, %dma_wait3A_105] : memref<4096x768xf32, #tpu.memory_space<hbm>> -> memref<32x768xf32, #tpu.memory_space<hbm>>
    %dma_wait3A_107 = arith.constant 0 : i32
    %dma_wait3A_108 = tpu.memref_slice %arg4[%add3A_81, %dma_wait3A_107] : memref<4096x768xf32, #tpu.memory_space<hbm>> -> memref<32x768xf32, #tpu.memory_space<hbm>>
    tpu.wait_dma2 semaphore(%arg16 : memref<!tpu.dma_semaphore, #tpu.memory_space<semaphore_mem>>) src(%arg8 : memref<32x768xf32, #tpu.memory_space<vmem>>) dst(%dma_wait3A_108 : memref<32x768xf32, #tpu.memory_space<hbm>>)
    %dma_wait3A_109 = arith.constant 0 : i32
    %dma_wait3A_110 = tpu.memref_slice %arg4[%add3A_92, %dma_wait3A_109] : memref<4096x768xf32, #tpu.memory_space<hbm>> -> memref<32x768xf32, #tpu.memory_space<hbm>>
    %dma_wait3A_111 = arith.constant 0 : i32
    %dma_wait3A_112 = tpu.memref_slice %arg4[%add3A_92, %dma_wait3A_111] : memref<4096x768xf32, #tpu.memory_space<hbm>> -> memref<32x768xf32, #tpu.memory_space<hbm>>
    tpu.wait_dma2 semaphore(%arg17 : memref<!tpu.dma_semaphore, #tpu.memory_space<semaphore_mem>>) src(%arg9 : memref<32x768xf32, #tpu.memory_space<vmem>>) dst(%dma_wait3A_112 : memref<32x768xf32, #tpu.memory_space<hbm>>)
    return
  }
}

</mosaic_0001>

<sc_bundles>
// kernel: _sc_gather.3.cloned.1.call-start
scs
__scs_entry_jumppad:
0x0: {  	(pc) =	sbr.rel $0x88, $3  }
0x1: {  	(tag) =	ssettag $0x0;
	lr =	simm.s32 $0x1  }
0x2: {  	[smem:$0x3F9F] =	sst lr;
	_ =	strace $0xD0000000  }
0x3: {  	_ = 	snop  }
0x4: {  	_ = 	snop  }
0x5: {  	_ = 	snop  }
0x6: {  	_ = 	snop  }
0x7: {  	_ = 	snop  }
__scs_overlays_trampoline_lowered:
0x8: {  	[smem:$0x3FAE] =	sst s0  }
0x9: {  	[smem:$0x3FAF] =	sst s1  }
0xa: {  	[smem:$0x3FB0] =	sst s2  }
0xb: {  	[smem:$0x3FB1] =	sst s3  }
0xc: {  	[smem:$0x3FB2] =	sst s4  }
0xd: {  	[smem:$0x3FB3] =	sst s5  }
0xe: {  	[smem:$0x3FB4] =	sst s6  }
0xf: {  	[smem:$0x3FB5] =	sst s7  }
0x10: {  	[smem:$0x3FB6] =	sst s8  }
0x11: {  	[smem:$0x3FB7] =	sst s9;
	s0 =	simm.s32 @!p0 $0x0  }
0x12: {  	s1 =	sld [smem:$0x3F9D];
	s0 =	simm.s32 @p0 $0x1  }
0x13: {  	[smem:$0x3FB8] =	sst s0;
	s0 =	simm.s32 @!p1 $0x0  }
0x14: {  	s2 =	sld [smem:$0x3F9C];
	s0 =	simm.s32 @p1 $0x1  }
0x15: {  	[smem:$0x3FB9] =	sst s0;
	s0 =	simm.s32 @!p2 $0x0  }
0x16: {  	s3 =	sld [smem:$0x3FDB];
	s0 =	simm.s32 @p2 $0x1  }
0x17: {  	s4 =	simm.s32 $0x1BF5;
	[smem:$0x3FBB] =	sst s0  }
0x18: {  	s0 =	sld [smem:$0x3F9E];
	_ =	swait.ge [sflag:s4], $0x0  }
0x19: {  	s7 =	sld [smem:$0x3F9F]  }
0x1a: {  	s8 =	sadd.s32 $0xFFFFE003, lr  }
0x1b: {  	s9 =	sadd.s32 $0xFFFFFEF7, lr;
	s5 =	simm.s32 $0xFFFFFFFF;
	p2 =	slt.u32 s8, $0xFFFFF086  }
0x1c: {  	p1 =	slt.u32 s9, $0xF7A;
	s5 =	simm.s32 @!p2 $0x0  }
0x1d: {  	s5 =	simm.s32 @p1 $0x1;
	p0 =	seq.s32 s7, s2  }
0x1e: {  	s7 =	smul.u32 @!p0 $0xF7A, s2;
	p2 =	seq.s32 @!p0 s5, $0x0  }
0x1f: {  	s9 =	smul.u32 $0xF7A, s1;
	s8 =	simm.s32 @!p0 $0x1BF5;
	p2 =	por !p2, p0  }
0x20: {  	[sflag:s8] =	ssyncset.s32 @!p0 $0xFFFFF086;
	s6 =	sadd.s32 @!p0 s3, s7;
	s7 =	simm.s32 @!p0 $0x108  }
0x21: {  	s3 =	sadd.s32 s3, s9;
	s6 =	sadd.s32 @!p0 $0x88, s6;
	s7 =	simm.s32 @p2 $0x1082  }
0x22: {  	[simem:s7], [sflag:s8] =	dma.local @!p0 [hbm:s6], $0xF7A  }
0x23: {  	s9 =	sor.u32 $0xD0000000, s2;
	s6 =	simm.s32 $0x108;
	_ =	swait.ge @!p0 [sflag:s8], $0x0  }
0x24: {  	s3 =	sadd.s32 $0x88, s3;
	s6 =	simm.s32 @!p1 $0x1082;
	[sflag:s4] =	ssyncset.s32 $0xFFFFF086  }
0x25: {  	[simem:s6], [sflag:s4] =	dma.local [hbm:s3], $0xF7A  }
0x26: {  	[smem:$0x3F9F] =	sst s1;
	(tag) =	ssettag s2;
	_ =	strace s9  }
0x27: {  	s1 =	sld [smem:$0x3FAF]  }
0x28: {  	s2 =	sld [smem:$0x3FB0]  }
0x29: {  	s4 =	sld [smem:$0x3FB2]  }
0x2a: {  	p0 =	seq.s32 s5, $0x0;
	s5 =	sld [smem:$0x3FB3]  }
0x2b: {  	s6 =	sld [smem:$0x3FB4]  }
0x2c: {  	s7 =	sld [smem:$0x3FB5]  }
0x2d: {  	s3 =	simm.s32 $0x108;
	s8 =	sld [smem:$0x3FB6]  }
0x2e: {  	s3 =	simm.s32 @!p0 $0x1082;
	s9 =	sld [smem:$0x3FB7]  }
0x2f: {  	lr =	sadd.s32 s0, s3;
	s0 =	sld [smem:$0x3FAE]  }
0x30: {  	s3 =	sld [smem:$0x3FB1]  }
0x31: {  	[smem:$0x3FBA] =	sst s10  }
0x32: {  	s10 =	sld [smem:$0x3FB8];
	_ =	sdelay $0x3  }
0x33: {  	p0 =	seq.s32 s10, $0x1;
	s10 =	sld [smem:$0x3FBA];
	_ =	sdelay $0x3  }
0x34: {  	[smem:$0x3FBA] =	sst s10  }
0x35: {  	s10 =	sld [smem:$0x3FB9];
	_ =	sdelay $0x3  }
0x36: {  	p1 =	seq.s32 s10, $0x1;
	s10 =	sld [smem:$0x3FBA];
	_ =	sdelay $0x3  }
0x37: {  	[smem:$0x3FBA] =	sst s10  }
0x38: {  	s10 =	sld [smem:$0x3FBB]  }
0x39: {  	_ = 	snop;
	(pc) =	sbr.ind lr, $3  }
0x3a: {  	_ = 	snop  }
0x3b: {  	_ = 	snop  }
0x3c: {  	p2 =	seq.s32 s10, $0x1;
	s10 =	sld [smem:$0x3FBA]  }
0x3d: {  	_ =	shalt  }
0x3e: {  	_ =	shalt  }
0x3f: {  	_ =	shalt  }
0x40: {  	_ =	shalt  }
0x41: {  	_ =	shalt  }
0x42: {  	_ =	shalt  }
0x43: {  	_ =	shalt  }
0x44: {  	_ =	shalt  }
0x45: {  	_ =	shalt  }
0x46: {  	_ =	shalt  }
0x47: {  	_ =	shalt  }
0x48: {  	_ =	shalt  }
0x49: {  	_ =	shalt  }
0x4a: {  	_ =	shalt  }
0x4b: {  	_ =	shalt  }
0x4c: {  	_ =	shalt  }
0x4d: {  	_ =	shalt  }
0x4e: {  	_ =	shalt  }
0x4f: {  	_ =	shalt  }
0x50: {  	_ =	shalt  }
0x51: {  	_ =	shalt  }
0x52: {  	_ =	shalt  }
0x53: {  	_ =	shalt  }
0x54: {  	_ =	shalt  }
0x55: {  	_ =	shalt  }
0x56: {  	_ =	shalt  }
0x57: {  	_ =	shalt  }
0x58: {  	_ =	shalt  }
0x59: {  	_ =	shalt  }
0x5a: {  	_ =	shalt  }
0x5b: {  	_ =	shalt  }
0x5c: {  	_ =	shalt  }
0x5d: {  	_ =	shalt  }
0x5e: {  	_ =	shalt  }
0x5f: {  	_ =	shalt  }
0x60: {  	_ =	shalt  }
0x61: {  	_ =	shalt  }
0x62: {  	_ =	shalt  }
0x63: {  	_ =	shalt  }
0x64: {  	_ =	shalt  }
0x65: {  	_ =	shalt  }
0x66: {  	_ =	shalt  }
0x67: {  	_ =	shalt  }
0x68: {  	_ =	shalt  }
0x69: {  	_ =	shalt  }
0x6a: {  	_ =	shalt  }
0x6b: {  	_ =	shalt  }
0x6c: {  	_ =	shalt  }
0x6d: {  	_ =	shalt  }
0x6e: {  	_ =	shalt  }
0x6f: {  	_ =	shalt  }
0x70: {  	_ =	shalt  }
0x71: {  	_ =	shalt  }
0x72: {  	_ =	shalt  }
0x73: {  	_ =	shalt  }
0x74: {  	_ =	shalt  }
0x75: {  	_ =	shalt  }
0x76: {  	_ =	shalt  }
0x77: {  	_ =	shalt  }
0x78: {  	_ =	shalt  }
0x79: {  	_ =	shalt  }
0x7a: {  	_ =	shalt  }
0x7b: {  	_ =	shalt  }
0x7c: {  	_ =	shalt  }
0x7d: {  	_ =	shalt  }
0x7e: {  	_ =	shalt  }
0x7f: {  	_ =	shalt  }
0x80: {  	_ =	shalt  }
0x81: {  	_ =	shalt  }
0x82: {  	_ =	shalt  }
0x83: {  	_ =	shalt  }
0x84: {  	_ =	shalt  }
0x85: {  	_ =	shalt  }
0x86: {  	_ =	shalt  }
0x87: {  	_ =	shalt  }
.Lfunc_end0:
.L_simem_size_0:
called_computation_lowered:
.L_overlay_start_0:
0x88: {  	s2 =	sld [smem:$0x3FD9]  }
0x89: {  	s3 =	sld [smem:$0x3FFE];
	_ =	sdelay $0x1  }
0x8a: {  	s1 =	srdreg.scid  }
0x8b: {  	s0 =	sand.u32 $0x1, s1  }
0x8c: {  	s18 =	sshll.u32 s0, $0xA;
	s2 =	sadd.s32 s3, s2  }
0x8d: {  	s2 =	sadd.s32 s2, s18  }
0x8e: {  	[smem:$0x3FC6] =	sst s2  }
0x8f: {  	_ = 	snop  }
0x90: {  	s2 =	sld [smem:$0x3FC9]  }
0x91: {  	s19 =	sld [smem:$0x3FC8]  }
0x92: {  	s4 =	sld [smem:$0x3FD0];
	(tm) =	ssettm $0x1  }
0x93: {  	s5 =	sld [smem:$0x3FFB];
	_ =	sdelay $0x3  }
0x94: {  	_ =	strace s5  }
0x95: {  	s5 =	sld [smem:$0x3FFC];
	_ =	sdelay $0x3  }
0x96: {  	_ =	strace s5  }
0x97: {  	s5 =	sld [smem:$0x3FFD];
	_ =	sdelay $0x3  }
0x98: {  	_ =	strace s5  }
0x99: {  	_ =	strace $0x8FFFFFFF  }
0x9a: {  	s20 =	sld [smem:$0x3FDB];
	_ =	sdelay $0x1  }
0x9b: {  	s6 =	simm.s32 $_scs_section_size  }
0x9c: {  	s7 =	simm.s32 $_size__tile_overlayer_lowered;
	s8 =	simm.s32 $_tile_overlayer_lowered  }
0x9d: {  	s23 =	simm.s32 $0x1BFF;
	s22 =	sshll.u32 s8, $0x1;
	s5 =	sadd.s32 s6, s20  }
0x9e: {  	s9 =	simm.s32 $0x0;
	s21 =	sshll.u32 s7, $0x1;
	s7 =	sadd.s32 s22, s5  }
0x9f: {  	[timem:s9], [sflag:s23] =	dma.local [hbm:s7], s21  }
0xa0: {  	_ =	swait.ge [sflag:s23], s21  }
0xa1: {  	s6 =	ssub.s32 $0x0, s21;
	[sflag:s23] =	ssyncset.done $0x0  }
0xa2: {  	[sflag:s23] =	ssyncadd.s32 s6;
	_ =	sdelay $0x1  }
0xa3: {  	s24 =	simm.s32 $0x1B8B  }
0xa4: {  	_ =	swait.ge [sflag:s24], $0x1  }
0xa5: {  	[sflag:s24] =	ssyncset.done $0x0  }
0xa6: {  	s25 =	simm.s32 $0x1B8E;
	[sflag:s24] =	ssyncadd.s32 $0xFFFFFFFF  }
0xa7: {  	s26 =	simm.s32 $execute0_lowered;
	[smem:$0x3FD2] =	sst s25  }
0xa8: {  	s6 =	sshll.u32 s26, $0x1;
	_ =	strace $0x80000046;
	[dreg:$0x1] =	wrdreg $0xFFFFFFFF  }
0xa9: {  	s28 =	simm.s32 $_size_execute0_lowered;
	s5 =	sadd.s32 s5, s6;
	[dreg:$0x0] =	wrdreg $0x0  }
0xaa: {  	s6 =	sshll.u32 s28, $0x1;
	[dreg:$0x2] =	wrdreg s5  }
0xab: {  	[dreg:$0x3] =	wrdreg s6  }
0xac: {  	[dreg:$0x4] =	wrdreg $0xC0  }
0xad: {  	_ =	task [dreg:s9], $0x5FFFF  }
0xae: {  	[dreg:$0x1] =	wrdreg $0xFFFFFFFF  }
0xaf: {  	[dreg:$0x0] =	wrdreg $0x60  }
0xb0: {  	[dreg:$0x2] =	wrdreg s2  }
0xb1: {  	[dreg:$0x3] =	wrdreg s19  }
0xb2: {  	[dreg:$0x4] =	wrdreg s4  }
0xb3: {  	[dreg:$0x5] =	wrdreg $0x9  }
0xb4: {  	_ =	task.clear_ibuf [dreg:s9], $0x6FFFF;
	_ =	strace $0x90000046  }
0xb5: {  	s29 =	simm.s32 $0x9;
	_ =	strace $0x80000048  }
0xb6: {  	_ =	swait.ge [sflag:s29], $0x1  }
0xb7: {  	[sflag:s29] =	ssyncadd.s32 $0xFFFFFFFF  }
0xb8: {  	_ =	strace $0x90000048  }
0xb9: {  	_ =	sfence  }
0xba: {  	s30 =	sld [smem:$0x0];
	_ =	sdelay $0x2  }
0xbb: {  	s31 =	sshll.u32 s1, $0xD;
	s1 =	sshrl.u32 s1, $0x2  }
0xbc: {  	s3 =	sand.u32 $0x4000, s31;
	s1 =	sadd.s32 s1, s30  }
0xbd: {  	s0 =	sor.u32 s3, s0;
	s1 =	sshll.u32 s1, $0x11  }
0xbe: {  	s0 =	sor.u32 s1, s0  }
0xbf: {  	s0 =	sadd.s32 $0x8F2B, s0  }
0xc0: {  	[sflag:s0] =	ssyncadd.remote.s32 $0x1  }
0xc1: {  	_ =	sfence.sel $0xFFFF  }
0xc2: {  	[dreg:$0x0] =	wrdreg $0xFFFFFFFF;
	(pc) =	sbr.abs _section_cstart, $3  }
0xc3: {  	[dreg:$0x1] =	wrdreg $0xFFFFFFFF  }
0xc4: {  	_ =	task.clear_ibuf [dreg:s9], $0x2FFFF;
	_ =	strace $0x9FFFFFFF  }
0xc5: {  	(tm) =	ssettm $0x7FFFFFFF  }
tec
execute0_lowered:
.L_overlay_start_1:
0x0: {  	(tag) =	ssettag $0x1  }
0x1: {  	s2 =	srdreg.scid  }
0x2: {  	s1 =	rddreg [dreg:$0x0];
	s0 =	stileid.u32;
	s2 =	sand.u32 $0x1, s2  }
0x3: {  	s4 =	rddreg [dreg:$0x1];
	s3 =	sshll.u32 s0, $0x8;
	s6 =	sshll.u32 s2, $0x7  }
0x4: {  	s5 =	rddreg [dreg:$0x2];
	s3 =	sor.u32 s6, s3  }
0x5: {  	s6 =	sshll.u32 s3, $0x2;
	s8 =	sshrl.u32 s3, $0x3;
	s3 =	simm.s32 $0x0  }
0x6: {  	s15 =	simm.s32 $0x880;
	[smem:$0x7FF] =	sst s3  }
0x7: {  	s16 =	simm.s32 $0x1080;
	_ =	strace $0x80000047;
	[dreg:$0x8] =	wrdreg s15  }
0x8: {  	s17 =	simm.s32 $0x1880;
	[dreg:$0x9] =	wrdreg s16  }
0x9: {  	s18 =	simm.s32 $0x2080;
	[dreg:$0xa] =	wrdreg s17  }
0xa: {  	s19 =	simm.s32 $0x2880;
	[dreg:$0xb] =	wrdreg s18  }
0xb: {  	s20 =	simm.s32 $0x3080;
	[dreg:$0xc] =	wrdreg s19  }
0xc: {  	s21 =	simm.s32 $0x3880;
	[dreg:$0xd] =	wrdreg s20  }
0xd: {  	s22 =	simm.s32 $0x4080;
	[dreg:$0xe] =	wrdreg s21  }
0xe: {  	s23 =	simm.s32 $0x4880;
	[dreg:$0xf] =	wrdreg s22  }
0xf: {  	s24 =	simm.s32 $0x5080;
	[dreg:$0x10] =	wrdreg s23  }
0x10: {  	s25 =	simm.s32 $0x5880;
	s26 =	simm.s32 $0x6880;
	[dreg:$0x11] =	wrdreg s24  }
0x11: {  	s9 =	simm.s32 $0x9080;
	s10 =	simm.s32 $0x9880;
	[dreg:$0x12] =	wrdreg s25  }
0x12: {  	s7 =	sshll.u32 s0, $0x5;
	s0 =	simm.s32 $0x7080;
	[dreg:$0x13] =	wrdreg s26  }
0x13: {  	s6 =	sor.u32 s7, s6;
	s7 =	simm.s32 $0x8080;
	[dreg:$0x14] =	wrdreg s0  }
0x14: {  	s28 =	simm.s32 $0x4;
	s29 =	simm.s32 $0x5;
	[dreg:$0x16] =	wrdreg s7  }
0x15: {  	s30 =	simm.s32 $0x6;
	s31 =	simm.s32 $0x7;
	[dreg:$0x18] =	wrdreg s9  }
0x16: {  	s2 =	ssub.s32 $0x2, s2;
	[dreg:$0x19] =	wrdreg s10;
	s15 =	simm.s32 $0xC880  }
0x17: {  	s11 =	smul.u32 $0x300, s8;
	s16 =	simm.s32 $0xD080;
	[dreg:$0x1e] =	wrdreg s15  }
0x18: {  	s8 =	smul.u32 $0x1800, s8;
	s18 =	simm.s32 $0xD880;
	[dreg:$0x1f] =	wrdreg s16  }
0x19: {  	s6 =	sand.u32 $0xF80, s6;
	s19 =	simm.s32 $0xE080;
	[smem:$0x7F5] =	sst s18  }
0x1a: {  	s17 =	sshrl.u32 s2, $0x1;
	s20 =	simm.s32 $0xE880;
	[smem:$0x7F6] =	sst s19  }
0x1b: {  	s21 =	simm.s32 $0xF080;
	s22 =	simm.s32 $0xF880;
	[smem:$0x7F7] =	sst s20  }
0x1c: {  	s23 =	simm.s32 $0x10080;
	s9 =	simm.s32 $0x80;
	[smem:$0x7F8] =	sst s21  }
0x1d: {  	s24 =	simm.s32 $0x10880;
	s10 =	simm.s32 $0x6080;
	[smem:$0x7F9] =	sst s22  }
0x1e: {  	s25 =	simm.s32 $0x11080;
	s26 =	simm.s32 $0x11880;
	[smem:$0x7FA] =	sst s23  }
0x1f: {  	s6 =	sshrl.u32 s6, $0x3;
	s12 =	sshrl.u32 s8, $0x3;
	[smem:$0x7FB] =	sst s24  }
0x20: {  	s8 =	simm.s32 $0x8880;
	s2 =	ssub.s32 s2, s17;
	[smem:$0x7FC] =	sst s25  }
0x21: {  	[smem:$0x7FD] =	sst s26;
	s15 =	simm.s32 $0x13880;
	s16 =	simm.s32 $0x14080  }
0x22: {  	s17 =	simm.s32 $0x14880;
	s18 =	simm.s32 $0x15080;
	s19 =	simm.s32 $0x15880  }
0x23: {  	s20 =	simm.s32 $0x16080;
	s21 =	simm.s32 $0x16880;
	s22 =	simm.s32 $0x17080  }
0x24: {  	s23 =	simm.s32 $0x17880;
	s24 =	simm.s32 $0x1;
	s25 =	simm.s32 $0x2  }
0x25: {  	s26 =	simm.s32 $0x3;
	s6 =	sadd.s32 s4, s6;
	[dreg:$0x17] =	wrdreg s8  }
0x26: {  	s4 =	sadd.s32 s5, s11;
	s11 =	simm.s32 $0xA080;
	[dreg:$0x4] =	wrdreg s6  }
0x27: {  	s5 =	sadd.s32 s5, s12;
	s12 =	simm.s32 $0xA880;
	[dreg:$0x1a] =	wrdreg s11  }
0x28: {  	s7 =	smax.u32 s2, $0x1;
	s13 =	sadd.s32 $0xC00, s4;
	[dreg:$0x1b] =	wrdreg s12  }
0x29: {  	s8 =	simm.s32 $0x9;
	s14 =	sadd.s32 $0x1800, s5;
	[dreg:$0x5] =	wrdreg s13  }
0x2a: {  	s2 =	simm.s32 $0x8;
	s5 =	sadd.s32 $0x2400, s5;
	[dreg:$0x6] =	wrdreg s14  }
0x2b: {  	s6 =	simm.s32 $0x7880;
	s11 =	simm.s32 $0xC080;
	[dreg:$0x7] =	wrdreg s5  }
0x2c: {  	v2 =	vlaneseq.u32;
	s12 =	simm.s32 $0x12080;
	[dreg:$0x15] =	wrdreg s6;
	s13 =	simm.s32 $0xB080  }
0x2d: {  	vm0 =	vmmov $0xffff;
	v1 =	vshrl.u32 v2, $0x3;
	s14 =	simm.s32 $0xB880;
	s5 =	sadd.s32 $0x100, s1;
	[dreg:$0x1c] =	wrdreg s13  }
0x2e: {  	v0 =	vand.u32 $0x7, v2;
	v2 =	vor.u32 $0x8, v2;
	v1 =	vmul.u32 $0x8, v1;
	s6 =	sadd.s32 $0x200, s1;
	[dreg:$0x1d] =	wrdreg s14;
	s14 =	simm.s32 $0x13080  }
.LBB2_1:
0x2f: {  	s0 =	rddreg [dreg:$0x4]  }
0x30: {  	[tilespmem:s3], [sflag:$0x9] =	stream.linear.gather [hbm4b:s0+s3], $0x80, $0x38;
	[tilespmem:$0x18080] =	vst v63  }
0x31: {  	_ =	swait.ge [sflag:s8], $0x80  }
0x32: {  	[sflag:s8] =	ssyncset.done $0x0  }
0x33: {  	[sflag:s8] =	ssyncadd.s32 $0xFFFFFF80  }
0x34: {  	v3 =	vld [tilespmem:$0x0];
	_ =	sdelay $0x4  }
0x35: {  	v4 =	vshrl.u32 v3, $0x3  }
0x36: {  	v4 =	vmul.u32 $0x30, v4  }
0x37: {  	v3 =	vand.u32 $0x7, v3  }
0x38: {  	v3 =	vor.u32 v3, v4  }
0x39: {  	v4 =	vperm.xlane v3, v0;
	_ =	sdelay $0x1  }
0x3a: {  	v4 =	vadd.s32 v1, v4;
	_ =	sdelay $0x3  }
0x3b: {  	v3 =	vperm.xlane v3, v2  }
0x3c: {  	[tilespmem:s9], [sflag:$0x1] =	stream.indirect_vreg.gather [hbm4b:s1+s3], $0x80, v4, vm0, $0xb8;
	[tilespmem:$0x18080] =	vst v63  }
0x3d: {  	s0 =	rddreg [dreg:$0x8];
	v3 =	vadd.s32 v1, v3  }
0x3e: {  	[tilespmem:s0], [sflag:$0x1] =	stream.indirect_vreg.gather [hbm4b:s5+s3], $0x80, v4, vm0, $0xb8;
	[tilespmem:$0x18080] =	vst v63  }
0x3f: {  	s13 =	rddreg [dreg:$0x9]  }
0x40: {  	[tilespmem:s13], [sflag:$0x1] =	stream.indirect_vreg.gather [hbm4b:s6+s3], $0x80, v4, vm0, $0xb8;
	[tilespmem:$0x18080] =	vst v63  }
0x41: {  	s0 =	rddreg [dreg:$0xa]  }
0x42: {  	[tilespmem:s0], [sflag:$0x1] =	stream.indirect_vreg.gather [hbm4b:s1+s3], $0x80, v3, vm0, $0xb8;
	[tilespmem:$0x18080] =	vst v63  }
0x43: {  	s13 =	rddreg [dreg:$0xb]  }
0x44: {  	[tilespmem:s13], [sflag:$0x1] =	stream.indirect_vreg.gather [hbm4b:s5+s3], $0x80, v3, vm0, $0xb8;
	[tilespmem:$0x18080] =	vst v63  }
0x45: {  	s0 =	rddreg [dreg:$0xc]  }
0x46: {  	[tilespmem:s0], [sflag:$0x1] =	stream.indirect_vreg.gather [hbm4b:s6+s3], $0x80, v3, vm0, $0xb8;
	[tilespmem:$0x18080] =	vst v63  }
0x47: {  	v3 =	vld [tilespmem:$0x10];
	_ =	sdelay $0x4  }
0x48: {  	v57 =	vshrl.u32 v3, $0x3  }
0x49: {  	v4 =	vmul.u32 $0x30, v57  }
0x4a: {  	v3 =	vand.u32 $0x7, v3  }
0x4b: {  	v3 =	vor.u32 v3, v4  }
0x4c: {  	v4 =	vperm.xlane v3, v0;
	_ =	sdelay $0x1  }
0x4d: {  	v4 =	vadd.s32 v1, v4;
	_ =	sdelay $0x3  }
0x4e: {  	s0 =	rddreg [dreg:$0xd];
	v3 =	vperm.xlane v3, v2  }
0x4f: {  	[tilespmem:s0], [sflag:$0x1] =	stream.indirect_vreg.gather [hbm4b:s1+s3], $0x80, v4, vm0, $0xb8;
	[tilespmem:$0x18080] =	vst v63  }
0x50: {  	s13 =	rddreg [dreg:$0xe];
	v3 =	vadd.s32 v1, v3  }
0x51: {  	[tilespmem:s13], [sflag:$0x1] =	stream.indirect_vreg.gather [hbm4b:s5+s3], $0x80, v4, vm0, $0xb8;
	[tilespmem:$0x18080] =	vst v63  }
0x52: {  	s0 =	rddreg [dreg:$0xf]  }
0x53: {  	[tilespmem:s0], [sflag:$0x1] =	stream.indirect_vreg.gather [hbm4b:s6+s3], $0x80, v4, vm0, $0xb8;
	[tilespmem:$0x18080] =	vst v63  }
0x54: {  	s13 =	rddreg [dreg:$0x10]  }
0x55: {  	[tilespmem:s13], [sflag:$0x1] =	stream.indirect_vreg.gather [hbm4b:s1+s3], $0x80, v3, vm0, $0xb8;
	[tilespmem:$0x18080] =	vst v63  }
0x56: {  	s0 =	rddreg [dreg:$0x11]  }
0x57: {  	[tilespmem:s0], [sflag:$0x1] =	stream.indirect_vreg.gather [hbm4b:s5+s3], $0x80, v3, vm0, $0xb8;
	[tilespmem:$0x18080] =	vst v63  }
0x58: {  	s13 =	rddreg [dreg:$0x12]  }
0x59: {  	[tilespmem:s13], [sflag:$0x1] =	stream.indirect_vreg.gather [hbm4b:s6+s3], $0x80, v3, vm0, $0xb8;
	[tilespmem:$0x18080] =	vst v63  }
0x5a: {  	v3 =	vld [tilespmem:$0x20];
	_ =	sdelay $0x4  }
0x5b: {  	v58 =	vshrl.u32 v3, $0x3  }
0x5c: {  	v4 =	vmul.u32 $0x30, v58  }
0x5d: {  	v3 =	vand.u32 $0x7, v3  }
0x5e: {  	v3 =	vor.u32 v3, v4  }
0x5f: {  	v4 =	vperm.xlane v3, v0;
	_ =	sdelay $0x1  }
0x60: {  	v4 =	vadd.s32 v1, v4;
	_ =	sdelay $0x3  }
0x61: {  	v3 =	vperm.xlane v3, v2  }
0x62: {  	[tilespmem:s10], [sflag:$0x2] =	stream.indirect_vreg.gather [hbm4b:s1+s3], $0x80, v4, vm0, $0xb8;
	[tilespmem:$0x18080] =	vst v63  }
0x63: {  	s0 =	rddreg [dreg:$0x13];
	v3 =	vadd.s32 v1, v3  }
0x64: {  	[tilespmem:s0], [sflag:$0x2] =	stream.indirect_vreg.gather [hbm4b:s5+s3], $0x80, v4, vm0, $0xb8;
	[tilespmem:$0x18080] =	vst v63  }
0x65: {  	s13 =	rddreg [dreg:$0x14]  }
0x66: {  	[tilespmem:s13], [sflag:$0x2] =	stream.indirect_vreg.gather [hbm4b:s6+s3], $0x80, v4, vm0, $0xb8;
	[tilespmem:$0x18080] =	vst v63  }
0x67: {  	s0 =	rddreg [dreg:$0x15]  }
0x68: {  	[tilespmem:s0], [sflag:$0x2] =	stream.indirect_vreg.gather [hbm4b:s1+s3], $0x80, v3, vm0, $0xb8;
	[tilespmem:$0x18080] =	vst v63  }
0x69: {  	s13 =	rddreg [dreg:$0x16]  }
0x6a: {  	[tilespmem:s13], [sflag:$0x2] =	stream.indirect_vreg.gather [hbm4b:s5+s3], $0x80, v3, vm0, $0xb8;
	[tilespmem:$0x18080] =	vst v63  }
0x6b: {  	s0 =	rddreg [dreg:$0x17]  }
0x6c: {  	[tilespmem:s0], [sflag:$0x2] =	stream.indirect_vreg.gather [hbm4b:s6+s3], $0x80, v3, vm0, $0xb8;
	[tilespmem:$0x18080] =	vst v63  }
0x6d: {  	v3 =	vld [tilespmem:$0x30];
	_ =	sdelay $0x4  }
0x6e: {  	v59 =	vshrl.u32 v3, $0x3  }
0x6f: {  	v4 =	vmul.u32 $0x30, v59  }
0x70: {  	v3 =	vand.u32 $0x7, v3  }
0x71: {  	v3 =	vor.u32 v3, v4  }
0x72: {  	v4 =	vperm.xlane v3, v0;
	_ =	sdelay $0x1  }
0x73: {  	v4 =	vadd.s32 v1, v4;
	_ =	sdelay $0x3  }
0x74: {  	s0 =	rddreg [dreg:$0x18];
	v3 =	vperm.xlane v3, v2  }
0x75: {  	[tilespmem:s0], [sflag:$0x2] =	stream.indirect_vreg.gather [hbm4b:s1+s3], $0x80, v4, vm0, $0xb8;
	[tilespmem:$0x18080] =	vst v63  }
0x76: {  	s13 =	rddreg [dreg:$0x19];
	v3 =	vadd.s32 v1, v3  }
0x77: {  	[tilespmem:s13], [sflag:$0x2] =	stream.indirect_vreg.gather [hbm4b:s5+s3], $0x80, v4, vm0, $0xb8;
	[tilespmem:$0x18080] =	vst v63  }
0x78: {  	s0 =	rddreg [dreg:$0x1a]  }
0x79: {  	[tilespmem:s0], [sflag:$0x2] =	stream.indirect_vreg.gather [hbm4b:s6+s3], $0x80, v4, vm0, $0xb8;
	[tilespmem:$0x18080] =	vst v63  }
0x7a: {  	s13 =	rddreg [dreg:$0x1b]  }
0x7b: {  	[tilespmem:s13], [sflag:$0x2] =	stream.indirect_vreg.gather [hbm4b:s1+s3], $0x80, v3, vm0, $0xb8;
	[tilespmem:$0x18080] =	vst v63  }
0x7c: {  	s0 =	rddreg [dreg:$0x1c]  }
0x7d: {  	[tilespmem:s0], [sflag:$0x2] =	stream.indirect_vreg.gather [hbm4b:s5+s3], $0x80, v3, vm0, $0xb8;
	[tilespmem:$0x18080] =	vst v63  }
0x7e: {  	s13 =	rddreg [dreg:$0x1d]  }
0x7f: {  	[tilespmem:s13], [sflag:$0x2] =	stream.indirect_vreg.gather [hbm4b:s6+s3], $0x80, v3, vm0, $0xb8;
	[tilespmem:$0x18080] =	vst v63  }
0x80: {  	v3 =	vld [tilespmem:$0x40];
	_ =	sdelay $0x4  }
0x81: {  	v60 =	vshrl.u32 v3, $0x3  }
0x82: {  	v4 =	vmul.u32 $0x30, v60  }
0x83: {  	v3 =	vand.u32 $0x7, v3  }
0x84: {  	v3 =	vor.u32 v3, v4  }
0x85: {  	v4 =	vperm.xlane v3, v0;
	_ =	sdelay $0x1  }
0x86: {  	v4 =	vadd.s32 v1, v4;
	_ =	sdelay $0x3  }
0x87: {  	s0 =	rddreg [dreg:$0x1e];
	v3 =	vperm.xlane v3, v2  }
0x88: {  	[tilespmem:s11], [sflag:$0x3] =	stream.indirect_vreg.gather [hbm4b:s1+s3], $0x80, v4, vm0, $0xb8;
	[tilespmem:$0x18080] =	vst v63  }
0x89: {  	s13 =	rddreg [dreg:$0x1f];
	v3 =	vadd.s32 v1, v3  }
0x8a: {  	[tilespmem:s0], [sflag:$0x3] =	stream.indirect_vreg.gather [hbm4b:s5+s3], $0x80, v4, vm0, $0xb8;
	[tilespmem:$0x18080] =	vst v63  }
0x8b: {  	s0 =	sld [smem:$0x7F5]  }
0x8c: {  	[tilespmem:s13], [sflag:$0x3] =	stream.indirect_vreg.gather [hbm4b:s6+s3], $0x80, v4, vm0, $0xb8;
	[tilespmem:$0x18080] =	vst v63  }
0x8d: {  	s13 =	sld [smem:$0x7F6]  }
0x8e: {  	[tilespmem:s0], [sflag:$0x3] =	stream.indirect_vreg.gather [hbm4b:s1+s3], $0x80, v3, vm0, $0xb8;
	[tilespmem:$0x18080] =	vst v63  }
0x8f: {  	s0 =	sld [smem:$0x7F7]  }
0x90: {  	[tilespmem:s13], [sflag:$0x3] =	stream.indirect_vreg.gather [hbm4b:s5+s3], $0x80, v3, vm0, $0xb8;
	[tilespmem:$0x18080] =	vst v63  }
0x91: {  	_ = 	snop  }
0x92: {  	[tilespmem:s0], [sflag:$0x3] =	stream.indirect_vreg.gather [hbm4b:s6+s3], $0x80, v3, vm0, $0xb8;
	[tilespmem:$0x18080] =	vst v63  }
0x93: {  	v3 =	vld [tilespmem:$0x50];
	_ =	sdelay $0x4  }
0x94: {  	v61 =	vshrl.u32 v3, $0x3  }
0x95: {  	v4 =	vmul.u32 $0x30, v61  }
0x96: {  	v3 =	vand.u32 $0x7, v3  }
0x97: {  	v3 =	vor.u32 v3, v4  }
0x98: {  	v4 =	vperm.xlane v3, v0;
	_ =	sdelay $0x1  }
0x99: {  	v4 =	vadd.s32 v1, v4;
	_ =	sdelay $0x1  }
0x9a: {  	s0 =	sld [smem:$0x7F8];
	_ =	sdelay $0x1  }
0x9b: {  	s13 =	sld [smem:$0x7F9];
	v3 =	vperm.xlane v3, v2  }
0x9c: {  	[tilespmem:s0], [sflag:$0x3] =	stream.indirect_vreg.gather [hbm4b:s1+s3], $0x80, v4, vm0, $0xb8;
	[tilespmem:$0x18080] =	vst v63  }
0x9d: {  	v3 =	vadd.s32 v1, v3;
	s0 =	sld [smem:$0x7FA]  }
0x9e: {  	[tilespmem:s13], [sflag:$0x3] =	stream.indirect_vreg.gather [hbm4b:s5+s3], $0x80, v4, vm0, $0xb8;
	[tilespmem:$0x18080] =	vst v63  }
0x9f: {  	s13 =	sld [smem:$0x7FB]  }
0xa0: {  	[tilespmem:s0], [sflag:$0x3] =	stream.indirect_vreg.gather [hbm4b:s6+s3], $0x80, v4, vm0, $0xb8;
	[tilespmem:$0x18080] =	vst v63  }
0xa1: {  	s0 =	sld [smem:$0x7FC]  }
0xa2: {  	[tilespmem:s13], [sflag:$0x3] =	stream.indirect_vreg.gather [hbm4b:s1+s3], $0x80, v3, vm0, $0xb8;
	[tilespmem:$0x18080] =	vst v63  }
0xa3: {  	s13 =	sld [smem:$0x7FD]  }
0xa4: {  	[tilespmem:s0], [sflag:$0x3] =	stream.indirect_vreg.gather [hbm4b:s5+s3], $0x80, v3, vm0, $0xb8;
	[tilespmem:$0x18080] =	vst v63  }
0xa5: {  	_ = 	snop  }
0xa6: {  	[tilespmem:s13], [sflag:$0x3] =	stream.indirect_vreg.gather [hbm4b:s6+s3], $0x80, v3, vm0, $0xb8;
	[tilespmem:$0x18080] =	vst v63  }
0xa7: {  	v3 =	vld [tilespmem:$0x60];
	_ =	sdelay $0x4  }
0xa8: {  	v62 =	vshrl.u32 v3, $0x3  }
0xa9: {  	v4 =	vmul.u32 $0x30, v62  }
0xaa: {  	v3 =	vand.u32 $0x7, v3  }
0xab: {  	v3 =	vor.u32 v3, v4  }
0xac: {  	v4 =	vperm.xlane v3, v0;
	_ =	sdelay $0x1  }
0xad: {  	v4 =	vadd.s32 v1, v4;
	_ =	sdelay $0x3  }
0xae: {  	v3 =	vperm.xlane v3, v2  }
0xaf: {  	[tilespmem:s12], [sflag:$0x4] =	stream.indirect_vreg.gather [hbm4b:s1+s3], $0x80, v4, vm0, $0xb8;
	[tilespmem:$0x18080] =	vst v63  }
0xb0: {  	s13 =	simm.s32 $0x12880;
	v3 =	vadd.s32 v1, v3  }
0xb1: {  	[tilespmem:s13], [sflag:$0x4] =	stream.indirect_vreg.gather [hbm4b:s5+s3], $0x80, v4, vm0, $0xb8;
	[tilespmem:$0x18080] =	vst v63  }
0xb2: {  	_ = 	snop  }
0xb3: {  	[tilespmem:s14], [sflag:$0x4] =	stream.indirect_vreg.gather [hbm4b:s6+s3], $0x80, v4, vm0, $0xb8;
	[tilespmem:$0x18080] =	vst v63  }
0xb4: {  	_ = 	snop  }
0xb5: {  	[tilespmem:s15], [sflag:$0x4] =	stream.indirect_vreg.gather [hbm4b:s1+s3], $0x80, v3, vm0, $0xb8;
	[tilespmem:$0x18080] =	vst v63  }
0xb6: {  	_ = 	snop  }
0xb7: {  	[tilespmem:s16], [sflag:$0x4] =	stream.indirect_vreg.gather [hbm4b:s5+s3], $0x80, v3, vm0, $0xb8;
	[tilespmem:$0x18080] =	vst v63  }
0xb8: {  	_ = 	snop  }
0xb9: {  	[tilespmem:s17], [sflag:$0x4] =	stream.indirect_vreg.gather [hbm4b:s6+s3], $0x80, v3, vm0, $0xb8;
	[tilespmem:$0x18080] =	vst v63  }
0xba: {  	v3 =	vld [tilespmem:$0x70];
	_ =	sdelay $0x4  }
0xbb: {  	v63 =	vshrl.u32 v3, $0x3  }
0xbc: {  	v4 =	vmul.u32 $0x30, v63  }
0xbd: {  	v3 =	vand.u32 $0x7, v3  }
0xbe: {  	v3 =	vor.u32 v3, v4  }
0xbf: {  	v4 =	vperm.xlane v3, v0;
	_ =	sdelay $0x1  }
0xc0: {  	v4 =	vadd.s32 v1, v4;
	_ =	sdelay $0x3  }
0xc1: {  	v3 =	vperm.xlane v3, v2  }
0xc2: {  	[tilespmem:s18], [sflag:$0x4] =	stream.indirect_vreg.gather [hbm4b:s1+s3], $0x80, v4, vm0, $0xb8;
	[tilespmem:$0x18080] =	vst v63  }
0xc3: {  	v3 =	vadd.s32 v1, v3  }
0xc4: {  	[tilespmem:s19], [sflag:$0x4] =	stream.indirect_vreg.gather [hbm4b:s5+s3], $0x80, v4, vm0, $0xb8;
	[tilespmem:$0x18080] =	vst v63  }
0xc5: {  	_ = 	snop  }
0xc6: {  	[tilespmem:s20], [sflag:$0x4] =	stream.indirect_vreg.gather [hbm4b:s6+s3], $0x80, v4, vm0, $0xb8;
	[tilespmem:$0x18080] =	vst v63  }
0xc7: {  	_ = 	snop  }
0xc8: {  	[tilespmem:s21], [sflag:$0x4] =	stream.indirect_vreg.gather [hbm4b:s1+s3], $0x80, v3, vm0, $0xb8;
	[tilespmem:$0x18080] =	vst v63  }
0xc9: {  	_ = 	snop  }
0xca: {  	[tilespmem:s22], [sflag:$0x4] =	stream.indirect_vreg.gather [hbm4b:s5+s3], $0x80, v3, vm0, $0xb8;
	[tilespmem:$0x18080] =	vst v63  }
0xcb: {  	_ = 	snop  }
0xcc: {  	[tilespmem:s23], [sflag:$0x4] =	stream.indirect_vreg.gather [hbm4b:s6+s3], $0x80, v3, vm0, $0xb8;
	[tilespmem:$0x18080] =	vst v63  }
0xcd: {  	_ =	swait.ge [sflag:s24], $0x6000  }
0xce: {  	[sflag:s24] =	ssyncset.done $0x0  }
0xcf: {  	[sflag:s24] =	ssyncadd.s32 $0xFFFFA000  }
0xd0: {  	[hbm4b:s4+s3] =	stream.linear.scatter [tilespmem:s9], [sflag:$0x5], $0x6000, $0x38;
	[tilespmem:$0x18080] =	vst v63  }
0xd1: {  	_ =	swait.ge [sflag:s25], $0x6000  }
0xd2: {  	[sflag:s25] =	ssyncset.done $0x0  }
0xd3: {  	s13 =	rddreg [dreg:$0x5];
	[sflag:s25] =	ssyncadd.s32 $0xFFFFA000  }
0xd4: {  	[hbm4b:s13+s3] =	stream.linear.scatter [tilespmem:s10], [sflag:$0x6], $0x6000, $0x38;
	[tilespmem:$0x18080] =	vst v63  }
0xd5: {  	_ =	swait.ge [sflag:s26], $0x6000  }
0xd6: {  	[sflag:s26] =	ssyncset.done $0x0  }
0xd7: {  	s13 =	rddreg [dreg:$0x6];
	[sflag:s26] =	ssyncadd.s32 $0xFFFFA000  }
0xd8: {  	[hbm4b:s13+s3] =	stream.linear.scatter [tilespmem:s11], [sflag:$0x7], $0x6000, $0x38;
	[tilespmem:$0x18080] =	vst v63  }
0xd9: {  	_ =	swait.ge [sflag:s28], $0x6000  }
0xda: {  	[sflag:s28] =	ssyncset.done $0x0  }
0xdb: {  	s13 =	rddreg [dreg:$0x7];
	[sflag:s28] =	ssyncadd.s32 $0xFFFFA000  }
0xdc: {  	[hbm4b:s13+s3] =	stream.linear.scatter [tilespmem:s12], [sflag:$0x8], $0x6000, $0x38;
	[tilespmem:$0x18080] =	vst v63  }
0xdd: {  	_ =	swait.ge [sflag:s29], $0x6000  }
0xde: {  	[sflag:s29] =	ssyncset.done $0x0  }
0xdf: {  	[sflag:s29] =	ssyncadd.s32 $0xFFFFA000  }
0xe0: {  	_ =	swait.ge [sflag:s30], $0x6000  }
0xe1: {  	[sflag:s30] =	ssyncset.done $0x0  }
0xe2: {  	[sflag:s30] =	ssyncadd.s32 $0xFFFFA000  }
0xe3: {  	p0 =	sne.s32 s7, $0x1;
	_ =	swait.ge [sflag:s31], $0x6000  }
.Ltmp0:
0xe4: {  	[sflag:s31] =	ssyncset.done $0x0;
	(pc) =	sbr.rel @p0 .LBB2_1-.Ltmp0, $4  }
0xe5: {  	[sflag:s31] =	ssyncadd.s32 $0xFFFFA000  }
0xe6: {  	_ =	swait.ge [sflag:s2], $0x6000  }
0xe7: {  	[sflag:s2] =	ssyncset.done $0x0  }
0xe8: {  	s7 =	sadd.s32 $0xFFFFFFFF, s7;
	[sflag:s2] =	ssyncadd.s32 $0xFFFFA000  }
0xe9: {  	_ =	sfence.sel $0x180000  }
0xea: {  	[bflag:$0x0] =	sbarrier.arrive $0xFFFF  }
0xeb: {  	_ =	strace $0x90000047  }
0xec: {  	s0 =	stileid.u32;
	[bflag:$0x2] =	sbarrier.arrive $0xFFFF  }
0xed: {  	p0 =	sne.s32 s0, $0x0;
	s0 =	rddreg [dreg:$0x3]  }
0xee: {  	s0 =	sadd.s32 @!p0 $0x100000, s0  }
0xef: {  	[sflag:s0] =	ssyncadd.tile.s32 @!p0 $0x1;
	_ =	shalt  }
.Lfunc_end2:
_tile_overlayer_lowered:
.L_overlay_start_2:
0xf0: {  	(tag) =	ssettag $0x2  }
0xf1: {  	s0 =	rddreg [dreg:$0x0];
	s2 =	stileid.u32  }
0xf2: {  	s1 =	rddreg [dreg:$0x1];
	p0 =	sne.s32 s2, $0x0  }
0xf3: {  	s3 =	rddreg [dreg:$0x2];
	[bflag:$0x3] =	sbarrier.arrive $0xFFFF;
	s2 =	simm.s32 @!p0 $0x1C09  }
0xf4: {  	[timem:s3], [sflag:s2] =	dma.local @!p0 [hbm:s0], s1  }
0xf5: {  	s0 =	simm.s32 @!p0 $0x9  }
0xf6: {  	_ =	swait.ge @!p0 [sflag:s0], s1  }
0xf7: {  	s1 =	ssub.s32 @!p0 $0x0, s1;
	[sflag:s0] =	ssyncset.done @!p0 $0x0  }
0xf8: {  	[sflag:s0] =	ssyncadd.s32 @!p0 s1  }
0xf9: {  	[bflag:$0x3] =	sbarrier.arrive $0xFFFF  }
0xfa: {  	_ =	shalt  }

</sc_bundles>
